<compile_context>
chip_gen: v7x
topology: tpu7x:2x2x1
jax: 0.10.2.dev20260603
libtpu: 0.0.44.dev20260713+nightly
codegen_flags: <defaults>
</compile_context>

<pallas_src>
import functools

import jax
import jax.numpy as jnp
from jax import lax
from jax.experimental import pallas as pl
from jax.experimental.pallas import tpu as pltpu
from jax.experimental.pallas import tpu_sc as plsc

_N_E = 8192
_D = 32
_BETA = 0.25
_RB = 512
_CB = 8192
_NCB = _N_E // _CB

_NW = 32
_R = 4608
_BPW = _R // _NW
_HALF = _BPW // 2


def _argmin_body(z_ref, zs_ref, w2_ref, ws_ref, idx_ref, loss_ref, run_d, run_i, acc):
    j = pl.program_id(1)
    z = z_ref[...]
    dot2 = lax.dot_general(z, w2_ref[...], (((1,), (1,)), ((), ())),
                           preferred_element_type=jnp.float32)
    sq = (zs_ref[...] + ws_ref[...]) - dot2
    d = jnp.sqrt(jnp.maximum(sq, 0.0))
    bmin = jnp.min(d, axis=1, keepdims=True)
    ii = lax.broadcasted_iota(jnp.int32, (_RB, _CB), 1)
    cand = jnp.where(d == bmin, ii, jnp.int32(1 << 30))
    bidx = jnp.min(cand, axis=1, keepdims=True) + j * _CB

    @pl.when(j == 0)
    def _():
        run_d[...] = bmin
        run_i[...] = bidx

    @pl.when(j > 0)
    def _():
        upd = bmin < run_d[...]
        run_d[...] = jnp.where(upd, bmin, run_d[...])
        run_i[...] = jnp.where(upd, bidx, run_i[...])

    @pl.when(j == _NCB - 1)
    def _():
        i = pl.program_id(0)
        idx_ref[...] = run_i[...]
        rd = run_d[...]
        part = jnp.sum(rd * rd)

        @pl.when(i == 0)
        def _():
            acc[0, 0] = part

        @pl.when(i > 0)
        def _():
            acc[0, 0] = acc[0, 0] + part

        @pl.when(i == pl.num_programs(0) - 1)
        def _():
            m = acc[0, 0] / (pl.num_programs(0) * _RB * _D)
            loss_ref[...] = jnp.reshape(m + _BETA * m, (1, 1))


def _sc_gather(W, idx):
    mesh = plsc.VectorSubcoreMesh(core_axis_name="c", subcore_axis_name="s")

    @functools.partial(
        pl.kernel,
        mesh=mesh,
        out_type=jax.ShapeDtypeStruct((_R, _D), jnp.float32),
        scratch_types=[
            pltpu.VMEM((_HALF,), jnp.int32),
            pltpu.VMEM((_HALF,), jnp.int32),
            pltpu.VMEM((_HALF, _D), jnp.float32),
            pltpu.VMEM((_HALF, _D), jnp.float32),
            pltpu.SemaphoreType.DMA,
        ],
        compiler_params=pltpu.CompilerParams(use_tc_tiling_on_sc=False),
    )
    def k(w_hbm, idx_hbm, out_hbm, idx_a, idx_b, rows_a, rows_b, sem):
        wid = lax.axis_index("s") * 2 + lax.axis_index("c")
        base = wid * _BPW
        pltpu.sync_copy(idx_hbm.at[pl.ds(base, _HALF)], idx_a)
        pltpu.sync_copy(idx_hbm.at[pl.ds(base + _HALF, _HALF)], idx_b)
        ca = pltpu.async_copy(w_hbm.at[idx_a], rows_a, sem)
        cb = pltpu.async_copy(w_hbm.at[idx_b], rows_b, sem)
        ca.wait()
        cb.wait()
        pltpu.sync_copy(rows_a, out_hbm.at[pl.ds(base, _HALF)])
        pltpu.sync_copy(rows_b, out_hbm.at[pl.ds(base + _HALF, _HALF)])

    return k(W, idx)


def kernel(z, W):
    zf = z.reshape(-1, _D)
    r = zf.shape[0]
    nrb = r // _RB
    zsum = jnp.sum(zf ** 2, axis=1, keepdims=True)
    wsum = jnp.sum(W ** 2, axis=1)[None, :]
    idx, loss = pl.pallas_call(
        _argmin_body,
        grid=(nrb, _NCB),
        in_specs=[
            pl.BlockSpec((_RB, _D), lambda i, j: (i, 0)),
            pl.BlockSpec((_RB, 1), lambda i, j: (i, 0)),
            pl.BlockSpec((_CB, _D), lambda i, j: (j, 0)),
            pl.BlockSpec((1, _CB), lambda i, j: (0, j)),
        ],
        out_specs=[
            pl.BlockSpec((_RB, 1), lambda i, j: (i, 0)),
            pl.BlockSpec((1, 1), lambda i, j: (0, 0)),
        ],
        out_shape=[
            jax.ShapeDtypeStruct((r, 1), jnp.int32),
            jax.ShapeDtypeStruct((1, 1), jnp.float32),
        ],
        scratch_shapes=[
            pltpu.VMEM((_RB, 1), jnp.float32),
            pltpu.VMEM((_RB, 1), jnp.int32),
            pltpu.SMEM((1, 1), jnp.float32),
        ],
    )(zf, zsum, W + W, wsum)

    idx_flat = idx.reshape(r)
    zq = _sc_gather(W, idx_flat)
    return zq.reshape(z.shape), loss.reshape(()), idx_flat

# --- scband reference (transcript-rebuilt; emitter-appended) ---
"""Pipeline reference for scband-vector-quantizer-9440338116773 (READ-ONLY COPY).

The authoritative reference and input builder live on the scoring server;
editing this copy changes nothing except your own understanding.
"""

import jax, jax.numpy as jnp
import numpy as np

N_E = 8192
VQ_EMBED_DIM = 32
BETA = 0.25


def setup_inputs(seed: int = 0) -> dict:
    key = jax.random.key(seed)
    k1, k2 = jax.random.split(key)
    z = jax.random.normal(k1, (8, 576, VQ_EMBED_DIM), dtype=jnp.float32)
    # embedding weight initialized uniform(-1/n_e, 1/n_e) as in the torch module
    W = jax.random.uniform(k2, (N_E, VQ_EMBED_DIM), minval=-1.0 / N_E, maxval=1.0 / N_E, dtype=jnp.float32)
    return {"z": z, "W": W}


def reference(z, W):
    # z: [B, T, D] -> flatten to [B*T, D]
    z_flattened = z.reshape(-1, VQ_EMBED_DIM)
    # torch.cdist: pairwise Euclidean distances [B*T, n_e]
    sq = (
        jnp.sum(z_flattened ** 2, axis=1, keepdims=True)
        + jnp.sum(W ** 2, axis=1)[None, :]
        - 2.0 * (z_flattened @ W.T)
    )
    dists = jnp.sqrt(jnp.maximum(sq, 0.0))
    min_encoding_indices = jnp.argmin(dists, axis=1)
    # embedding lookup (gather)
    z_q = jnp.take(W, min_encoding_indices, axis=0).reshape(z.shape)
    # legacy=True loss: mean((sg(z_q)-z)^2) + beta*mean((z_q - sg(z))^2)
    loss = jnp.mean((jax.lax.stop_gradient(z_q) - z) ** 2) + BETA * jnp.mean(
        (z_q - jax.lax.stop_gradient(z)) ** 2
    )
    # straight-through estimator
    z_q = z + jax.lax.stop_gradient(z_q - z)
    return z_q, loss, min_encoding_indices

if __name__ == "__main__":
    import jax
    _d = setup_inputs()
    print(jax.jit(kernel)(*tuple(_d.values())))

</pallas_src>

<mosaic_0001>
#map = affine_map<(d0, d1) -> (0, 0)>
#map1 = affine_map<(d0, d1) -> (0)>
module attributes {stable_mosaic.version = 14 : i64} {
  func.func @k(%arg0: i32, %arg1: i32, %arg2: memref<8192x32xf32, #tpu.memory_space<hbm>>, %arg3: memref<4608xi32, #tpu.memory_space<hbm>>, %arg4: memref<4608x32xf32, #tpu.memory_space<hbm>>, %arg5: memref<72xi32, #tpu.memory_space<vmem>>, %arg6: memref<72xi32, #tpu.memory_space<vmem>>, %arg7: memref<72x32xf32, #tpu.memory_space<vmem>>, %arg8: memref<72x32xf32, #tpu.memory_space<vmem>>, %arg9: memref<!tpu.dma_semaphore, #tpu.memory_space<semaphore_mem>>) attributes {dimension_semantics = [#tpu.dimension_semantics<core_parallel>, #tpu.dimension_semantics<subcore_parallel>], iteration_bounds = array<i64: 2, 16>, scalar_prefetch = 0 : i64, scratch_operands = 5 : i64, tpu.core_type = #tpu.core_type<sc_vector_subcore>, window_params = [{transform_indices = #map}, {transform_indices = #map1}, {transform_indices = #map}]} {
    %mul3A = arith.constant 2 : i32
    %mul3A_0 = arith.muli %arg1, %mul3A : i32
    %add3A = arith.addi %mul3A_0, %arg0 : i32
    %mul3A_1 = arith.constant 144 : i32
    %mul3A_2 = arith.muli %add3A, %mul3A_1 : i32
    "tpu.region"() ({
      %run_scoped3A = tpu.sem_alloc : memref<!tpu.dma_semaphore, #tpu.memory_space<semaphore_mem>>
      %dma_start3A_17 = tpu.memref_slice %arg3[%mul3A_2] : memref<4608xi32, #tpu.memory_space<hbm>> -> memref<72xi32, #tpu.memory_space<hbm>>
      %dma_start3A_18 = tpu.memref_slice %arg3[%mul3A_2] : memref<4608xi32, #tpu.memory_space<hbm>> -> memref<72xi32, #tpu.memory_space<hbm>>
      tpu.enqueue_dma source(%dma_start3A_18 : memref<72xi32, #tpu.memory_space<hbm>>) target(%arg5 : memref<72xi32, #tpu.memory_space<vmem>>) target_semaphore(%run_scoped3A : memref<!tpu.dma_semaphore, #tpu.memory_space<semaphore_mem>>)
      %dma_wait3A_19 = tpu.memref_slice %arg3[%mul3A_2] : memref<4608xi32, #tpu.memory_space<hbm>> -> memref<72xi32, #tpu.memory_space<hbm>>
      %dma_wait3A_20 = tpu.memref_slice %arg3[%mul3A_2] : memref<4608xi32, #tpu.memory_space<hbm>> -> memref<72xi32, #tpu.memory_space<hbm>>
      tpu.wait_dma2 semaphore(%run_scoped3A : memref<!tpu.dma_semaphore, #tpu.memory_space<semaphore_mem>>) src(%dma_wait3A_20 : memref<72xi32, #tpu.memory_space<hbm>>) dst(%arg5 : memref<72xi32, #tpu.memory_space<vmem>>)
      tpu.yield
    }) : () -> ()
    %add3A_3 = arith.constant 72 : i32
    %add3A_4 = arith.addi %mul3A_2, %add3A_3 : i32
    "tpu.region"() ({
      %run_scoped3A = tpu.sem_alloc : memref<!tpu.dma_semaphore, #tpu.memory_space<semaphore_mem>>
      %dma_start3A_17 = tpu.memref_slice %arg3[%add3A_4] : memref<4608xi32, #tpu.memory_space<hbm>> -> memref<72xi32, #tpu.memory_space<hbm>>
      %dma_start3A_18 = tpu.memref_slice %arg3[%add3A_4] : memref<4608xi32, #tpu.memory_space<hbm>> -> memref<72xi32, #tpu.memory_space<hbm>>
      tpu.enqueue_dma source(%dma_start3A_18 : memref<72xi32, #tpu.memory_space<hbm>>) target(%arg6 : memref<72xi32, #tpu.memory_space<vmem>>) target_semaphore(%run_scoped3A : memref<!tpu.dma_semaphore, #tpu.memory_space<semaphore_mem>>)
      %dma_wait3A_19 = tpu.memref_slice %arg3[%add3A_4] : memref<4608xi32, #tpu.memory_space<hbm>> -> memref<72xi32, #tpu.memory_space<hbm>>
      %dma_wait3A_20 = tpu.memref_slice %arg3[%add3A_4] : memref<4608xi32, #tpu.memory_space<hbm>> -> memref<72xi32, #tpu.memory_space<hbm>>
      tpu.wait_dma2 semaphore(%run_scoped3A : memref<!tpu.dma_semaphore, #tpu.memory_space<semaphore_mem>>) src(%dma_wait3A_20 : memref<72xi32, #tpu.memory_space<hbm>>) dst(%arg6 : memref<72xi32, #tpu.memory_space<vmem>>)
      tpu.yield
    }) : () -> ()
    %dma_start3A = arith.constant 0 : i32
    %dma_start3A_5 = arith.constant 0 : i32
    %dma_start3A_6 = tpu.memref_slice %arg2[%dma_start3A, %dma_start3A_5] : memref<8192x32xf32, #tpu.memory_space<hbm>> -> memref<8192x32xf32, #tpu.memory_space<hbm>>
    tpu.enqueue_indirect_dma source(%dma_start3A_6 : memref<8192x32xf32, #tpu.memory_space<hbm>>) target(%arg7 : memref<72x32xf32, #tpu.memory_space<vmem>>) offsets(%arg5 : memref<72xi32, #tpu.memory_space<vmem>>) semaphore(%arg9 : memref<!tpu.dma_semaphore, #tpu.memory_space<semaphore_mem>>)
    %dma_start3A_7 = arith.constant 0 : i32
    %dma_start3A_8 = arith.constant 0 : i32
    %dma_start3A_9 = tpu.memref_slice %arg2[%dma_start3A_7, %dma_start3A_8] : memref<8192x32xf32, #tpu.memory_space<hbm>> -> memref<8192x32xf32, #tpu.memory_space<hbm>>
    tpu.enqueue_indirect_dma source(%dma_start3A_9 : memref<8192x32xf32, #tpu.memory_space<hbm>>) target(%arg8 : memref<72x32xf32, #tpu.memory_space<vmem>>) offsets(%arg6 : memref<72xi32, #tpu.memory_space<vmem>>) semaphore(%arg9 : memref<!tpu.dma_semaphore, #tpu.memory_space<semaphore_mem>>)
    %dma_wait3A = arith.constant 0 : i32
    %dma_wait3A_10 = arith.constant 0 : i32
    %dma_wait3A_11 = tpu.memref_slice %arg2[%dma_wait3A, %dma_wait3A_10] : memref<8192x32xf32, #tpu.memory_space<hbm>> -> memref<8192x32xf32, #tpu.memory_space<hbm>>
    tpu.wait_indirect_dma semaphore(%arg9 : memref<!tpu.dma_semaphore, #tpu.memory_space<semaphore_mem>>) src(%dma_wait3A_11 : memref<8192x32xf32, #tpu.memory_space<hbm>>) dst(%arg7 : memref<72x32xf32, #tpu.memory_space<vmem>>)
    %dma_wait3A_12 = arith.constant 0 : i32
    %dma_wait3A_13 = arith.constant 0 : i32
    %dma_wait3A_14 = tpu.memref_slice %arg2[%dma_wait3A_12, %dma_wait3A_13] : memref<8192x32xf32, #tpu.memory_space<hbm>> -> memref<8192x32xf32, #tpu.memory_space<hbm>>
    tpu.wait_indirect_dma semaphore(%arg9 : memref<!tpu.dma_semaphore, #tpu.memory_space<semaphore_mem>>) src(%dma_wait3A_14 : memref<8192x32xf32, #tpu.memory_space<hbm>>) dst(%arg8 : memref<72x32xf32, #tpu.memory_space<vmem>>)
    "tpu.region"() ({
      %run_scoped3A = tpu.sem_alloc : memref<!tpu.dma_semaphore, #tpu.memory_space<semaphore_mem>>
      %dma_start3A_17 = arith.constant 0 : i32
      %dma_start3A_18 = tpu.memref_slice %arg4[%mul3A_2, %dma_start3A_17] : memref<4608x32xf32, #tpu.memory_space<hbm>> -> memref<72x32xf32, #tpu.memory_space<hbm>>
      %dma_start3A_19 = arith.constant 0 : i32
      %dma_start3A_20 = tpu.memref_slice %arg4[%mul3A_2, %dma_start3A_19] : memref<4608x32xf32, #tpu.memory_space<hbm>> -> memref<72x32xf32, #tpu.memory_space<hbm>>
      tpu.enqueue_dma source(%arg7 : memref<72x32xf32, #tpu.memory_space<vmem>>) target(%dma_start3A_20 : memref<72x32xf32, #tpu.memory_space<hbm>>) target_semaphore(%run_scoped3A : memref<!tpu.dma_semaphore, #tpu.memory_space<semaphore_mem>>)
      %dma_wait3A_21 = arith.constant 0 : i32
      %dma_wait3A_22 = tpu.memref_slice %arg4[%mul3A_2, %dma_wait3A_21] : memref<4608x32xf32, #tpu.memory_space<hbm>> -> memref<72x32xf32, #tpu.memory_space<hbm>>
      %dma_wait3A_23 = arith.constant 0 : i32
      %dma_wait3A_24 = tpu.memref_slice %arg4[%mul3A_2, %dma_wait3A_23] : memref<4608x32xf32, #tpu.memory_space<hbm>> -> memref<72x32xf32, #tpu.memory_space<hbm>>
      tpu.wait_dma2 semaphore(%run_scoped3A : memref<!tpu.dma_semaphore, #tpu.memory_space<semaphore_mem>>) src(%arg7 : memref<72x32xf32, #tpu.memory_space<vmem>>) dst(%dma_wait3A_24 : memref<72x32xf32, #tpu.memory_space<hbm>>)
      tpu.yield
    }) : () -> ()
    %add3A_15 = arith.constant 72 : i32
    %add3A_16 = arith.addi %mul3A_2, %add3A_15 : i32
    "tpu.region"() ({
      %run_scoped3A = tpu.sem_alloc : memref<!tpu.dma_semaphore, #tpu.memory_space<semaphore_mem>>
      %dma_start3A_17 = arith.constant 0 : i32
      %dma_start3A_18 = tpu.memref_slice %arg4[%add3A_16, %dma_start3A_17] : memref<4608x32xf32, #tpu.memory_space<hbm>> -> memref<72x32xf32, #tpu.memory_space<hbm>>
      %dma_start3A_19 = arith.constant 0 : i32
      %dma_start3A_20 = tpu.memref_slice %arg4[%add3A_16, %dma_start3A_19] : memref<4608x32xf32, #tpu.memory_space<hbm>> -> memref<72x32xf32, #tpu.memory_space<hbm>>
      tpu.enqueue_dma source(%arg8 : memref<72x32xf32, #tpu.memory_space<vmem>>) target(%dma_start3A_20 : memref<72x32xf32, #tpu.memory_space<hbm>>) target_semaphore(%run_scoped3A : memref<!tpu.dma_semaphore, #tpu.memory_space<semaphore_mem>>)
      %dma_wait3A_21 = arith.constant 0 : i32
      %dma_wait3A_22 = tpu.memref_slice %arg4[%add3A_16, %dma_wait3A_21] : memref<4608x32xf32, #tpu.memory_space<hbm>> -> memref<72x32xf32, #tpu.memory_space<hbm>>
      %dma_wait3A_23 = arith.constant 0 : i32
      %dma_wait3A_24 = tpu.memref_slice %arg4[%add3A_16, %dma_wait3A_23] : memref<4608x32xf32, #tpu.memory_space<hbm>> -> memref<72x32xf32, #tpu.memory_space<hbm>>
      tpu.wait_dma2 semaphore(%run_scoped3A : memref<!tpu.dma_semaphore, #tpu.memory_space<semaphore_mem>>) src(%arg8 : memref<72x32xf32, #tpu.memory_space<vmem>>) dst(%dma_wait3A_24 : memref<72x32xf32, #tpu.memory_space<hbm>>)
      tpu.yield
    }) : () -> ()
    return
  }
}

module attributes {stable_mosaic.version = 14 : i64} {
  func.func @_argmin_body(%arg0: i32, %arg1: i32, %arg2: memref<512x32xf32, #tpu.memory_space<vmem>>, %arg3: memref<512x1xf32, #tpu.memory_space<vmem>>, %arg4: memref<8192x32xf32, #tpu.memory_space<vmem>>, %arg5: memref<1x8192xf32, #tpu.memory_space<vmem>>, %arg6: memref<512x1xi32, #tpu.memory_space<vmem>>, %arg7: memref<1x1xf32, #tpu.memory_space<vmem>>, %arg8: memref<512x1xf32, #tpu.memory_space<vmem>>, %arg9: memref<512x1xi32, #tpu.memory_space<vmem>>, %arg10: memref<1x1xf32, #tpu.memory_space<smem>>) attributes {dimension_semantics = [#tpu.dimension_semantics<arbitrary>, #tpu.dimension_semantics<arbitrary>], iteration_bounds = array<i64: 9, 1>, scalar_prefetch = 0 : i64, scratch_operands = 3 : i64, tpu.core_type = #tpu.core_type<tc>, window_params = [{transform_indices = @transform_0, window_bounds = array<i64: 512, 32>}, {transform_indices = @transform_1, window_bounds = array<i64: 512, 1>}, {transform_indices = @transform_2, window_bounds = array<i64: 8192, 32>}, {transform_indices = @transform_3, window_bounds = array<i64: 1, 8192>}, {transform_indices = @transform_4, window_bounds = array<i64: 512, 1>}, {pipeline_mode = #tpu.pipeline_mode<synchronous>, transform_indices = @transform_5, window_bounds = array<i64: 1, 1>}]} {
    %get3A = arith.constant 0 : index
    %get3A_0 = arith.constant 0 : index
    %get3A_1 = vector.load %arg2[%get3A, %get3A_0] : memref<512x32xf32, #tpu.memory_space<vmem>>, vector<512x32xf32>
    %get3A_2 = arith.constant 0 : index
    %get3A_3 = arith.constant 0 : index
    %get3A_4 = vector.load %arg4[%get3A_2, %get3A_3] : memref<8192x32xf32, #tpu.memory_space<vmem>>, vector<8192x32xf32>
    %dot_general3A = arith.constant dense<0.000000e+00> : vector<512x8192xf32>
    %dot_general3A_5 = tpu.matmul %get3A_1, %get3A_4, %dot_general3A {dimension_numbers = #tpu.dot_dimension_numbers<[1], [1], [0], [0], [0, 0, 1, 0], [], []>, transpose_lhs_hint = false} : vector<512x32xf32>, vector<8192x32xf32>, vector<512x8192xf32> -> vector<512x8192xf32>
    %get3A_6 = arith.constant 0 : index
    %get3A_7 = arith.constant 0 : index
    %get3A_8 = vector.load %arg3[%get3A_6, %get3A_7] : memref<512x1xf32, #tpu.memory_space<vmem>>, vector<512x1xf32>
    %get3A_9 = arith.constant 0 : index
    %get3A_10 = arith.constant 0 : index
    %get3A_11 = vector.load %arg5[%get3A_9, %get3A_10] : memref<1x8192xf32, #tpu.memory_space<vmem>>, vector<1x8192xf32>
    %add3A = vector.broadcast %get3A_8 : vector<512x1xf32> to vector<512x8192xf32>
    %add3A_12 = vector.broadcast %get3A_11 : vector<1x8192xf32> to vector<512x8192xf32>
    %add3A_13 = arith.addf %add3A, %add3A_12 : vector<512x8192xf32>
    %sub3A = arith.subf %add3A_13, %dot_general3A_5 : vector<512x8192xf32>
    %max3A = arith.constant 0.000000e+00 : f32
    %max3A_14 = vector.broadcast %max3A : f32 to vector<512x8192xf32>
    %max3A_15 = arith.maximumf %sub3A, %max3A_14 : vector<512x8192xf32>
    %sqrt3A = math.sqrt %max3A_15 : vector<512x8192xf32>
    %reduce_min3A = arith.constant dense<0x7F800000> : vector<512xf32>
    %reduce_min3A_16 = vector.multi_reduction <minimumf>, %sqrt3A, %reduce_min3A [1] : vector<512x8192xf32> to vector<512xf32>
    %broadcast_in_dim3A = vector.shape_cast %reduce_min3A_16 : vector<512xf32> to vector<512x1xf32>
    %iota3A = tpu.iota {dimensions = array<i32: 1>} : vector<512x8192xi32>
    %eq3A = vector.broadcast %broadcast_in_dim3A : vector<512x1xf32> to vector<512x8192xf32>
    %eq3A_17 = arith.cmpf oeq, %sqrt3A, %eq3A : vector<512x8192xf32>
    %jit3A = arith.constant 1073741824 : i32
    %broadcast_in_dim3A_18 = vector.broadcast %jit3A : i32 to vector<512x8192xi32>
    %select_n3A = arith.select %eq3A_17, %iota3A, %broadcast_in_dim3A_18 : vector<512x8192xi1>, vector<512x8192xi32>
    %reduce_min3A_19 = arith.constant dense<2147483647> : vector<512xi32>
    %reduce_min3A_20 = vector.multi_reduction <minsi>, %select_n3A, %reduce_min3A_19 [1] : vector<512x8192xi32> to vector<512xi32>
    %broadcast_in_dim3A_21 = vector.shape_cast %reduce_min3A_20 : vector<512xi32> to vector<512x1xi32>
    %mul3A = arith.constant 8192 : i32
    %mul3A_22 = arith.muli %arg1, %mul3A : i32
    %add3A_23 = vector.broadcast %mul3A_22 : i32 to vector<512x1xi32>
    %add3A_24 = arith.addi %broadcast_in_dim3A_21, %add3A_23 : vector<512x1xi32>
    %eq3A_25 = arith.constant 0 : i32
    %eq3A_26 = arith.cmpi eq, %arg1, %eq3A_25 : i32
    %convert_element_type3A = arith.extui %eq3A_26 : i1 to i32
    %cond3A = arith.constant 0 : i32
    %cond3A_27 = arith.cmpi ne, %convert_element_type3A, %cond3A : i32
    scf.if %cond3A_27 {
      %swap3A = arith.constant 0 : index
      %swap3A_37 = arith.constant 0 : index
      %swap3A_38 = vector.load %arg8[%swap3A, %swap3A_37] : memref<512x1xf32, #tpu.memory_space<vmem>>, vector<512x1xf32>
      tpu.vector_store %arg8[%swap3A, %swap3A_37], %broadcast_in_dim3A {strides = array<i32>} : memref<512x1xf32, #tpu.memory_space<vmem>>, vector<512x1xf32>,
      %swap3A_39 = arith.constant 0 : index
      %swap3A_40 = arith.constant 0 : index
      %swap3A_41 = vector.load %arg9[%swap3A_39, %swap3A_40] : memref<512x1xi32, #tpu.memory_space<vmem>>, vector<512x1xi32>
      tpu.vector_store %arg9[%swap3A_39, %swap3A_40], %add3A_24 {strides = array<i32>} : memref<512x1xi32, #tpu.memory_space<vmem>>, vector<512x1xi32>,
    } else {
    }
    %gt3A = arith.constant 0 : i32
    %gt3A_28 = arith.cmpi sgt, %arg1, %gt3A : i32
    %convert_element_type3A_29 = arith.extui %gt3A_28 : i1 to i32
    %cond3A_30 = arith.constant 0 : i32
    %cond3A_31 = arith.cmpi ne, %convert_element_type3A_29, %cond3A_30 : i32
    scf.if %cond3A_31 {
      %get3A_37 = arith.constant 0 : index
      %get3A_38 = arith.constant 0 : index
      %get3A_39 = vector.load %arg8[%get3A_37, %get3A_38] : memref<512x1xf32, #tpu.memory_space<vmem>>, vector<512x1xf32>
      %lt3A = arith.cmpf olt, %broadcast_in_dim3A, %get3A_39 : vector<512x1xf32>
      %get3A_40 = arith.constant 0 : index
      %get3A_41 = arith.constant 0 : index
      %get3A_42 = vector.load %arg8[%get3A_40, %get3A_41] : memref<512x1xf32, #tpu.memory_space<vmem>>, vector<512x1xf32>
      %select_n3A_43 = arith.select %lt3A, %broadcast_in_dim3A, %get3A_42 : vector<512x1xi1>, vector<512x1xf32>
      %swap3A = arith.constant 0 : index
      %swap3A_44 = arith.constant 0 : index
      %swap3A_45 = vector.load %arg8[%swap3A, %swap3A_44] : memref<512x1xf32, #tpu.memory_space<vmem>>, vector<512x1xf32>
      tpu.vector_store %arg8[%swap3A, %swap3A_44], %select_n3A_43 {strides = array<i32>} : memref<512x1xf32, #tpu.memory_space<vmem>>, vector<512x1xf32>,
      %get3A_46 = arith.constant 0 : index
      %get3A_47 = arith.constant 0 : index
      %get3A_48 = vector.load %arg9[%get3A_46, %get3A_47] : memref<512x1xi32, #tpu.memory_space<vmem>>, vector<512x1xi32>
      %select_n3A_49 = arith.select %lt3A, %add3A_24, %get3A_48 : vector<512x1xi1>, vector<512x1xi32>
      %swap3A_50 = arith.constant 0 : index
      %swap3A_51 = arith.constant 0 : index
      %swap3A_52 = vector.load %arg9[%swap3A_50, %swap3A_51] : memref<512x1xi32, #tpu.memory_space<vmem>>, vector<512x1xi32>
      tpu.vector_store %arg9[%swap3A_50, %swap3A_51], %select_n3A_49 {strides = array<i32>} : memref<512x1xi32, #tpu.memory_space<vmem>>, vector<512x1xi32>,
    } else {
    }
    %eq3A_32 = arith.constant 0 : i32
    %eq3A_33 = arith.cmpi eq, %arg1, %eq3A_32 : i32
    %convert_element_type3A_34 = arith.extui %eq3A_33 : i1 to i32
    %cond3A_35 = arith.constant 0 : i32
    %cond3A_36 = arith.cmpi ne, %convert_element_type3A_34, %cond3A_35 : i32
    scf.if %cond3A_36 {
      %get3A_37 = arith.constant 0 : index
      %get3A_38 = arith.constant 0 : index
      %get3A_39 = vector.load %arg9[%get3A_37, %get3A_38] : memref<512x1xi32, #tpu.memory_space<vmem>>, vector<512x1xi32>
      %swap3A = arith.constant 0 : index
      %swap3A_40 = arith.constant 0 : index
      %swap3A_41 = vector.load %arg6[%swap3A, %swap3A_40] : memref<512x1xi32, #tpu.memory_space<vmem>>, vector<512x1xi32>
      tpu.vector_store %arg6[%swap3A, %swap3A_40], %get3A_39 {strides = array<i32>} : memref<512x1xi32, #tpu.memory_space<vmem>>, vector<512x1xi32>,
      %get3A_42 = arith.constant 0 : index
      %get3A_43 = arith.constant 0 : index
      %get3A_44 = vector.load %arg8[%get3A_42, %get3A_43] : memref<512x1xf32, #tpu.memory_space<vmem>>, vector<512x1xf32>
      %mul3A_45 = arith.mulf %get3A_44, %get3A_44 : vector<512x1xf32>
      %reduce_sum3A = vector.shape_cast %mul3A_45 : vector<512x1xf32> to vector<1x512x1xf32>
      %reduce_sum3A_46 = arith.constant dense<0.000000e+00> : vector<1xf32>
      %reduce_sum3A_47 = vector.multi_reduction <add>, %reduce_sum3A, %reduce_sum3A_46 [1, 2] : vector<1x512x1xf32> to vector<1xf32>
      %reduce_sum3A_48 = vector.shape_cast %reduce_sum3A_47 : vector<1xf32> to vector<1x1x1xf32>
      %reduce_sum3A_49 = vector.extract %reduce_sum3A_48[0, 0, 0] : f32 from vector<1x1x1xf32>
      %eq3A_50 = arith.constant 0 : i32
      %eq3A_51 = arith.cmpi eq, %arg0, %eq3A_50 : i32
      %convert_element_type3A_52 = arith.extui %eq3A_51 : i1 to i32
      %cond3A_53 = arith.constant 0 : i32
      %cond3A_54 = arith.cmpi ne, %convert_element_type3A_52, %cond3A_53 : i32
      scf.if %cond3A_54 {
        %swap3A_65 = arith.constant 0 : index
        %swap3A_66 = arith.constant 0 : index
        %swap3A_67 = memref.load %arg10[%swap3A_65, %swap3A_66] : memref<1x1xf32, #tpu.memory_space<smem>>
        memref.store %reduce_sum3A_49, %arg10[%swap3A_65, %swap3A_66] : memref<1x1xf32, #tpu.memory_space<smem>>
      } else {
      }
      %gt3A_55 = arith.constant 0 : i32
      %gt3A_56 = arith.cmpi sgt, %arg0, %gt3A_55 : i32
      %convert_element_type3A_57 = arith.extui %gt3A_56 : i1 to i32
      %cond3A_58 = arith.constant 0 : i32
      %cond3A_59 = arith.cmpi ne, %convert_element_type3A_57, %cond3A_58 : i32
      scf.if %cond3A_59 {
        %get3A_65 = arith.constant 0 : index
        %get3A_66 = arith.constant 0 : index
        %get3A_67 = memref.load %arg10[%get3A_65, %get3A_66] : memref<1x1xf32, #tpu.memory_space<smem>>
        %add3A_68 = arith.addf %get3A_67, %reduce_sum3A_49 : f32
        %swap3A_69 = arith.constant 0 : index
        %swap3A_70 = arith.constant 0 : index
        %swap3A_71 = memref.load %arg10[%swap3A_69, %swap3A_70] : memref<1x1xf32, #tpu.memory_space<smem>>
        memref.store %add3A_68, %arg10[%swap3A_69, %swap3A_70] : memref<1x1xf32, #tpu.memory_space<smem>>
      } else {
      }
      %eq3A_60 = arith.constant 8 : i32
      %eq3A_61 = arith.cmpi eq, %arg0, %eq3A_60 : i32
      %convert_element_type3A_62 = arith.extui %eq3A_61 : i1 to i32
      %cond3A_63 = arith.constant 0 : i32
      %cond3A_64 = arith.cmpi ne, %convert_element_type3A_62, %cond3A_63 : i32
      scf.if %cond3A_64 {
        %get3A_65 = arith.constant 0 : index
        %get3A_66 = arith.constant 0 : index
        %get3A_67 = memref.load %arg10[%get3A_65, %get3A_66] : memref<1x1xf32, #tpu.memory_space<smem>>
        %div3A = arith.constant 1.474560e+05 : f32
        %div3A_68 = arith.divf %get3A_67, %div3A : f32
        %mul3A_69 = arith.constant 2.500000e-01 : f32
        %mul3A_70 = arith.mulf %mul3A_69, %div3A_68 : f32
        %add3A_71 = arith.addf %div3A_68, %mul3A_70 : f32
        %reshape3A = vector.broadcast %add3A_71 : f32 to vector<1x1xf32>
        %swap3A_72 = arith.constant 0 : index
        %swap3A_73 = arith.constant 0 : index
        %swap3A_74 = vector.load %arg7[%swap3A_72, %swap3A_73] : memref<1x1xf32, #tpu.memory_space<vmem>>, vector<1x1xf32>
        tpu.vector_store %arg7[%swap3A_72, %swap3A_73], %reshape3A {strides = array<i32>} : memref<1x1xf32, #tpu.memory_space<vmem>>, vector<1x1xf32>,
      } else {
      }
    } else {
    }
    return
  }
  func.func @transform_0(%arg0: i32, %arg1: i32) -> (i32, i32) {
    %c0_i32 = arith.constant 0 : i32
    %c0_i32_0 = arith.constant 0 : i32
    return %arg0, %c0_i32 : i32, i32
  }
  func.func @transform_1(%arg0: i32, %arg1: i32) -> (i32, i32) {
    %c0_i32 = arith.constant 0 : i32
    %c0_i32_0 = arith.constant 0 : i32
    return %arg0, %c0_i32 : i32, i32
  }
  func.func @transform_2(%arg0: i32, %arg1: i32) -> (i32, i32) {
    %c0_i32 = arith.constant 0 : i32
    %c0_i32_0 = arith.constant 0 : i32
    return %arg1, %c0_i32 : i32, i32
  }
  func.func @transform_3(%arg0: i32, %arg1: i32) -> (i32, i32) {
    %c0_i32 = arith.constant 0 : i32
    %c0_i32_0 = arith.constant 0 : i32
    return %c0_i32, %arg1 : i32, i32
  }
  func.func @transform_4(%arg0: i32, %arg1: i32) -> (i32, i32) {
    %c0_i32 = arith.constant 0 : i32
    %c0_i32_0 = arith.constant 0 : i32
    return %arg0, %c0_i32 : i32, i32
  }
  func.func @transform_5(%arg0: i32, %arg1: i32) -> (i32, i32) {
    %c0_i32 = arith.constant 0 : i32
    %c0_i32_0 = arith.constant 0 : i32
    %c0_i32_1 = arith.constant 0 : i32
    return %c0_i32, %c0_i32_0 : i32, i32
  }
}

</mosaic_0001>

<sc_bundles>
// kernel: kernel.4.cloned.1.call-start
scs
__scs_entry_jumppad:
0x0: {  	(pc) =	sbr.rel $0x88, $3  }
0x1: {  	(tag) =	ssettag $0x0;
	lr =	simm.s32 $0x1  }
0x2: {  	[smem:$0x3F9F] =	sst lr;
	_ =	strace $0xD0000000  }
0x3: {  	_ = 	snop  }
0x4: {  	_ = 	snop  }
0x5: {  	_ = 	snop  }
0x6: {  	_ = 	snop  }
0x7: {  	_ = 	snop  }
__scs_overlays_trampoline_lowered:
0x8: {  	[smem:$0x3FAE] =	sst s0  }
0x9: {  	[smem:$0x3FAF] =	sst s1  }
0xa: {  	[smem:$0x3FB0] =	sst s2  }
0xb: {  	[smem:$0x3FB1] =	sst s3  }
0xc: {  	[smem:$0x3FB2] =	sst s4  }
0xd: {  	[smem:$0x3FB3] =	sst s5  }
0xe: {  	[smem:$0x3FB4] =	sst s6  }
0xf: {  	[smem:$0x3FB5] =	sst s7  }
0x10: {  	[smem:$0x3FB6] =	sst s8  }
0x11: {  	[smem:$0x3FB7] =	sst s9;
	s0 =	simm.s32 @!p0 $0x0  }
0x12: {  	s1 =	sld [smem:$0x3F9D];
	s0 =	simm.s32 @p0 $0x1  }
0x13: {  	[smem:$0x3FB8] =	sst s0;
	s0 =	simm.s32 @!p1 $0x0  }
0x14: {  	s2 =	sld [smem:$0x3F9C];
	s0 =	simm.s32 @p1 $0x1  }
0x15: {  	[smem:$0x3FB9] =	sst s0;
	s0 =	simm.s32 @!p2 $0x0  }
0x16: {  	s3 =	sld [smem:$0x3FDB];
	s0 =	simm.s32 @p2 $0x1  }
0x17: {  	s4 =	simm.s32 $0x1BF5;
	[smem:$0x3FBB] =	sst s0  }
0x18: {  	s0 =	sld [smem:$0x3F9E];
	_ =	swait.ge [sflag:s4], $0x0  }
0x19: {  	s7 =	sld [smem:$0x3F9F]  }
0x1a: {  	s8 =	sadd.s32 $0xFFFFE003, lr  }
0x1b: {  	s9 =	sadd.s32 $0xFFFFFEF7, lr;
	s5 =	simm.s32 $0xFFFFFFFF;
	p2 =	slt.u32 s8, $0xFFFFF086  }
0x1c: {  	p1 =	slt.u32 s9, $0xF7A;
	s5 =	simm.s32 @!p2 $0x0  }
0x1d: {  	s5 =	simm.s32 @p1 $0x1;
	p0 =	seq.s32 s7, s2  }
0x1e: {  	s7 =	smul.u32 @!p0 $0xF7A, s2;
	p2 =	seq.s32 @!p0 s5, $0x0  }
0x1f: {  	s9 =	smul.u32 $0xF7A, s1;
	s8 =	simm.s32 @!p0 $0x1BF5;
	p2 =	por !p2, p0  }
0x20: {  	[sflag:s8] =	ssyncset.s32 @!p0 $0xFFFFF086;
	s6 =	sadd.s32 @!p0 s3, s7;
	s7 =	simm.s32 @!p0 $0x108  }
0x21: {  	s3 =	sadd.s32 s3, s9;
	s6 =	sadd.s32 @!p0 $0x88, s6;
	s7 =	simm.s32 @p2 $0x1082  }
0x22: {  	[simem:s7], [sflag:s8] =	dma.local @!p0 [hbm:s6], $0xF7A  }
0x23: {  	s9 =	sor.u32 $0xD0000000, s2;
	s6 =	simm.s32 $0x108;
	_ =	swait.ge @!p0 [sflag:s8], $0x0  }
0x24: {  	s3 =	sadd.s32 $0x88, s3;
	s6 =	simm.s32 @!p1 $0x1082;
	[sflag:s4] =	ssyncset.s32 $0xFFFFF086  }
0x25: {  	[simem:s6], [sflag:s4] =	dma.local [hbm:s3], $0xF7A  }
0x26: {  	[smem:$0x3F9F] =	sst s1;
	(tag) =	ssettag s2;
	_ =	strace s9  }
0x27: {  	s1 =	sld [smem:$0x3FAF]  }
0x28: {  	s2 =	sld [smem:$0x3FB0]  }
0x29: {  	s4 =	sld [smem:$0x3FB2]  }
0x2a: {  	p0 =	seq.s32 s5, $0x0;
	s5 =	sld [smem:$0x3FB3]  }
0x2b: {  	s6 =	sld [smem:$0x3FB4]  }
0x2c: {  	s7 =	sld [smem:$0x3FB5]  }
0x2d: {  	s3 =	simm.s32 $0x108;
	s8 =	sld [smem:$0x3FB6]  }
0x2e: {  	s3 =	simm.s32 @!p0 $0x1082;
	s9 =	sld [smem:$0x3FB7]  }
0x2f: {  	lr =	sadd.s32 s0, s3;
	s0 =	sld [smem:$0x3FAE]  }
0x30: {  	s3 =	sld [smem:$0x3FB1]  }
0x31: {  	[smem:$0x3FBA] =	sst s10  }
0x32: {  	s10 =	sld [smem:$0x3FB8];
	_ =	sdelay $0x3  }
0x33: {  	p0 =	seq.s32 s10, $0x1;
	s10 =	sld [smem:$0x3FBA];
	_ =	sdelay $0x3  }
0x34: {  	[smem:$0x3FBA] =	sst s10  }
0x35: {  	s10 =	sld [smem:$0x3FB9];
	_ =	sdelay $0x3  }
0x36: {  	p1 =	seq.s32 s10, $0x1;
	s10 =	sld [smem:$0x3FBA];
	_ =	sdelay $0x3  }
0x37: {  	[smem:$0x3FBA] =	sst s10  }
0x38: {  	s10 =	sld [smem:$0x3FBB]  }
0x39: {  	_ = 	snop;
	(pc) =	sbr.ind lr, $3  }
0x3a: {  	_ = 	snop  }
0x3b: {  	_ = 	snop  }
0x3c: {  	p2 =	seq.s32 s10, $0x1;
	s10 =	sld [smem:$0x3FBA]  }
0x3d: {  	_ =	shalt  }
0x3e: {  	_ =	shalt  }
0x3f: {  	_ =	shalt  }
0x40: {  	_ =	shalt  }
0x41: {  	_ =	shalt  }
0x42: {  	_ =	shalt  }
0x43: {  	_ =	shalt  }
0x44: {  	_ =	shalt  }
0x45: {  	_ =	shalt  }
0x46: {  	_ =	shalt  }
0x47: {  	_ =	shalt  }
0x48: {  	_ =	shalt  }
0x49: {  	_ =	shalt  }
0x4a: {  	_ =	shalt  }
0x4b: {  	_ =	shalt  }
0x4c: {  	_ =	shalt  }
0x4d: {  	_ =	shalt  }
0x4e: {  	_ =	shalt  }
0x4f: {  	_ =	shalt  }
0x50: {  	_ =	shalt  }
0x51: {  	_ =	shalt  }
0x52: {  	_ =	shalt  }
0x53: {  	_ =	shalt  }
0x54: {  	_ =	shalt  }
0x55: {  	_ =	shalt  }
0x56: {  	_ =	shalt  }
0x57: {  	_ =	shalt  }
0x58: {  	_ =	shalt  }
0x59: {  	_ =	shalt  }
0x5a: {  	_ =	shalt  }
0x5b: {  	_ =	shalt  }
0x5c: {  	_ =	shalt  }
0x5d: {  	_ =	shalt  }
0x5e: {  	_ =	shalt  }
0x5f: {  	_ =	shalt  }
0x60: {  	_ =	shalt  }
0x61: {  	_ =	shalt  }
0x62: {  	_ =	shalt  }
0x63: {  	_ =	shalt  }
0x64: {  	_ =	shalt  }
0x65: {  	_ =	shalt  }
0x66: {  	_ =	shalt  }
0x67: {  	_ =	shalt  }
0x68: {  	_ =	shalt  }
0x69: {  	_ =	shalt  }
0x6a: {  	_ =	shalt  }
0x6b: {  	_ =	shalt  }
0x6c: {  	_ =	shalt  }
0x6d: {  	_ =	shalt  }
0x6e: {  	_ =	shalt  }
0x6f: {  	_ =	shalt  }
0x70: {  	_ =	shalt  }
0x71: {  	_ =	shalt  }
0x72: {  	_ =	shalt  }
0x73: {  	_ =	shalt  }
0x74: {  	_ =	shalt  }
0x75: {  	_ =	shalt  }
0x76: {  	_ =	shalt  }
0x77: {  	_ =	shalt  }
0x78: {  	_ =	shalt  }
0x79: {  	_ =	shalt  }
0x7a: {  	_ =	shalt  }
0x7b: {  	_ =	shalt  }
0x7c: {  	_ =	shalt  }
0x7d: {  	_ =	shalt  }
0x7e: {  	_ =	shalt  }
0x7f: {  	_ =	shalt  }
0x80: {  	_ =	shalt  }
0x81: {  	_ =	shalt  }
0x82: {  	_ =	shalt  }
0x83: {  	_ =	shalt  }
0x84: {  	_ =	shalt  }
0x85: {  	_ =	shalt  }
0x86: {  	_ =	shalt  }
0x87: {  	_ =	shalt  }
.Lfunc_end0:
.L_simem_size_0:
called_computation_lowered:
.L_overlay_start_0:
0x88: {  	s2 =	sld [smem:$0x3FD9]  }
0x89: {  	s3 =	sld [smem:$0x3FFE];
	_ =	sdelay $0x1  }
0x8a: {  	s1 =	srdreg.scid  }
0x8b: {  	s0 =	sand.u32 $0x1, s1  }
0x8c: {  	s14 =	sshll.u32 s0, $0xA;
	s2 =	sadd.s32 s3, s2  }
0x8d: {  	s2 =	sadd.s32 s2, s14  }
0x8e: {  	[smem:$0x3FC6] =	sst s2  }
0x8f: {  	_ = 	snop  }
0x90: {  	s2 =	sld [smem:$0x3FD0];
	_ =	sdelay $0x2  }
0x91: {  	s15 =	simm.s32 $0xA;
	s4 =	simm.s32 $0x10  }
0x92: {  	[smem:s4], [sflag:s15] =	dma.local [hbm:s2], $0x1  }
0x93: {  	_ =	swait.eq [sflag:s15], $0x1  }
0x94: {  	[sflag:s15] =	ssyncset.done $0x0  }
0x95: {  	s16 =	sld [smem:$0x10];
	[sflag:s15] =	ssyncadd.s32 $0xFFFFFFFF  }
0x96: {  	s17 =	sld [smem:$0x12];
	(tm) =	ssettm $0x1  }
0x97: {  	s18 =	sld [smem:$0x3FFB];
	_ =	sdelay $0x3  }
0x98: {  	_ =	strace s18  }
0x99: {  	s4 =	sld [smem:$0x3FFC];
	_ =	sdelay $0x3  }
0x9a: {  	_ =	strace s4  }
0x9b: {  	s4 =	sld [smem:$0x3FFD];
	_ =	sdelay $0x3  }
0x9c: {  	_ =	strace s4  }
0x9d: {  	_ =	strace $0x8FFFFFFF  }
0x9e: {  	s19 =	sld [smem:$0x3FDB];
	_ =	sdelay $0x1  }
0x9f: {  	s5 =	simm.s32 $_scs_section_size  }
0xa0: {  	s6 =	simm.s32 $_size__tile_overlayer_lowered;
	s7 =	simm.s32 $_tile_overlayer_lowered  }
0xa1: {  	s22 =	simm.s32 $0x1BFF;
	s21 =	sshll.u32 s7, $0x1;
	s4 =	sadd.s32 s5, s19  }
0xa2: {  	s8 =	simm.s32 $0x0;
	s20 =	sshll.u32 s6, $0x1;
	s6 =	sadd.s32 s21, s4  }
0xa3: {  	[timem:s8], [sflag:s22] =	dma.local [hbm:s6], s20  }
0xa4: {  	_ =	swait.ge [sflag:s22], s20  }
0xa5: {  	s5 =	ssub.s32 $0x0, s20;
	[sflag:s22] =	ssyncset.done $0x0  }
0xa6: {  	[sflag:s22] =	ssyncadd.s32 s5;
	_ =	sdelay $0x1  }
0xa7: {  	s23 =	simm.s32 $0x1B8B  }
0xa8: {  	_ =	swait.ge [sflag:s23], $0x1  }
0xa9: {  	[sflag:s23] =	ssyncset.done $0x0  }
0xaa: {  	s25 =	simm.s32 $0x1B8E;
	s24 =	sld [smem:$0x3FFE];
	[sflag:s23] =	ssyncadd.s32 $0xFFFFFFFF  }
0xab: {  	s26 =	simm.s32 $execute0_lowered;
	[smem:$0x3FD2] =	sst s25  }
0xac: {  	s6 =	sshll.u32 s26, $0x1;
	_ =	strace $0x80000046;
	[dreg:$0x1] =	wrdreg $0xFFFFFFFF  }
0xad: {  	s28 =	simm.s32 $_size_execute0_lowered;
	s4 =	sadd.s32 s4, s6;
	[dreg:$0x0] =	wrdreg $0x0  }
0xae: {  	s6 =	sshll.u32 s28, $0x1;
	[dreg:$0x2] =	wrdreg s4  }
0xaf: {  	[dreg:$0x3] =	wrdreg s6  }
0xb0: {  	[dreg:$0x4] =	wrdreg $0xC0  }
0xb1: {  	_ =	task [dreg:s8], $0x5FFFF  }
0xb2: {  	[dreg:$0x1] =	wrdreg $0xFFFFFFFF  }
0xb3: {  	[dreg:$0x0] =	wrdreg $0x60  }
0xb4: {  	[dreg:$0x2] =	wrdreg s24  }
0xb5: {  	[dreg:$0x3] =	wrdreg s17  }
0xb6: {  	[dreg:$0x4] =	wrdreg s16  }
0xb7: {  	[dreg:$0x5] =	wrdreg $0x9  }
0xb8: {  	_ =	task.clear_ibuf [dreg:s8], $0x6FFFF;
	_ =	strace $0x90000046  }
0xb9: {  	s29 =	simm.s32 $0x9;
	_ =	strace $0x80000048  }
0xba: {  	_ =	swait.ge [sflag:s29], $0x1  }
0xbb: {  	[sflag:s29] =	ssyncadd.s32 $0xFFFFFFFF  }
0xbc: {  	_ =	strace $0x90000048  }
0xbd: {  	_ =	sfence  }
0xbe: {  	s30 =	sld [smem:$0x0];
	_ =	sdelay $0x2  }
0xbf: {  	s31 =	sshll.u32 s1, $0xD;
	s1 =	sshrl.u32 s1, $0x2  }
0xc0: {  	s3 =	sand.u32 $0x4000, s31;
	s1 =	sadd.s32 s1, s30  }
0xc1: {  	s0 =	sor.u32 s3, s0;
	s1 =	sshll.u32 s1, $0x11  }
0xc2: {  	s0 =	sor.u32 s1, s0  }
0xc3: {  	s0 =	sadd.s32 $0x8F2B, s0  }
0xc4: {  	[sflag:s0] =	ssyncadd.remote.s32 $0x1  }
0xc5: {  	_ =	sfence.sel $0xFFFF  }
0xc6: {  	[dreg:$0x0] =	wrdreg $0xFFFFFFFF;
	(pc) =	sbr.abs _section_cstart, $3  }
0xc7: {  	[dreg:$0x1] =	wrdreg $0xFFFFFFFF  }
0xc8: {  	_ =	task.clear_ibuf [dreg:s8], $0x2FFFF;
	_ =	strace $0x9FFFFFFF  }
0xc9: {  	(tm) =	ssettm $0x7FFFFFFF  }
tec
execute0_lowered:
.L_overlay_start_1:
0x0: {  	(tag) =	ssettag $0x1  }
0x1: {  	s1 =	srdreg.scid;
	s0 =	stileid.u32  }
0x2: {  	s2 =	rddreg [dreg:$0x0];
	s11 =	sand.u32 $0x1, s1;
	s28 =	sshll.u32 s0, $0x1  }
0x3: {  	s6 =	rddreg [dreg:$0x1];
	s12 =	sor.u32 s11, s28  }
0x4: {  	s13 =	rddreg [dreg:$0x2];
	s7 =	smul.u32 $0x90, s12  }
0x5: {  	s3 =	simm.s32 $0x0;
	s1 =	rddreg [dreg:$0x3]  }
0x6: {  	[smem:$0x7FF] =	sst s3;
	s4 =	sshrl.u32 s7, $0x3  }
0x7: {  	_ =	strace $0x80000047;
	s5 =	sadd.s32 s6, s4;
	s4 =	simm.s32 $0x2  }
0x8: {  	[tilespmem:s3], [sflag:$0x2] =	stream.linear.gather [hbm4b:s5+s3], $0x48, $0x38;
	[tilespmem:$0x1290] =	vst v63  }
0x9: {  	s14 =	sadd.s32 $0x48, s7;
	_ =	swait.ge [sflag:s4], $0x48  }
0xa: {  	s7 =	sshrl.u32 s14, $0x3;
	[sflag:s4] =	ssyncset.done $0x0  }
0xb: {  	s6 =	sadd.s32 s6, s7;
	s7 =	simm.s32 $0x48;
	[sflag:s4] =	ssyncadd.s32 $0xFFFFFFB8  }
0xc: {  	[tilespmem:s7], [sflag:$0x2] =	stream.linear.gather [hbm4b:s6+s3], $0x48, $0x38;
	[tilespmem:$0x1290] =	vst v63  }
0xd: {  	_ =	swait.ge [sflag:s4], $0x48  }
0xe: {  	[sflag:s4] =	ssyncset.done $0x0  }
0xf: {  	s8 =	simm.s32 $0x90;
	[sflag:s4] =	ssyncadd.s32 $0xFFFFFFB8  }
0x10: {  	[tilespmem:s8], [sflag:$0x1] =	stream.indirect.gather [hbm4b:s2+s7], $0x20, s3, s7, $0xb8;
	[tilespmem:$0x1290] =	vst v63  }
0x11: {  	s9 =	simm.s32 $0x990;
	s10 =	simm.s32 $0x1  }
0x12: {  	[tilespmem:s9], [sflag:$0x1] =	stream.indirect.gather [hbm4b:s2+s7], $0x20, s7, s7, $0xb8;
	[tilespmem:$0x1290] =	vst v63  }
0x13: {  	_ =	swait.ge [sflag:s10], $0x900  }
0x14: {  	[sflag:s10] =	ssyncset.done $0x0  }
0x15: {  	s15 =	ssub.s32 $0x2, s11;
	[sflag:s10] =	ssyncadd.s32 $0xFFFFF700  }
0x16: {  	s12 =	smul.u32 $0x240, s12;
	s29 =	sshrl.u32 s15, $0x1;
	_ =	swait.ge [sflag:s10], $0x900  }
0x17: {  	s15 =	ssub.s32 s15, s29;
	[sflag:s10] =	ssyncset.done $0x0  }
0x18: {  	s11 =	sadd.s32 s13, s12;
	s31 =	smax.u32 s15, $0x1;
	[sflag:s10] =	ssyncadd.s32 $0xFFFFF700  }
0x19: {  	[hbm4b:s11+s3] =	stream.linear.scatter [tilespmem:s8], [sflag:$0x2], $0x900, $0x38;
	[tilespmem:$0x1290] =	vst v63  }
0x1a: {  	p0 =	sne.s32 s31, $0x1;
	_ =	swait.ge [sflag:s4], $0x900  }
.Ltmp0:
0x1b: {  	s30 =	sshll.u32 s14, $0x2;
	[sflag:s4] =	ssyncset.done $0x0;
	(pc) =	sbr.rel @!p0 .LBB2_2-.Ltmp0, $4  }
0x1c: {  	s12 =	sadd.s32 s13, s30;
	[sflag:s4] =	ssyncadd.s32 $0xFFFFF700  }
0x1d: {  	[hbm4b:s12+s3] =	stream.linear.scatter [tilespmem:s9], [sflag:$0x2], $0x900, $0x38;
	[tilespmem:$0x1290] =	vst v63  }
0x1e: {  	_ =	swait.ge [sflag:s4], $0x900  }
0x1f: {  	s13 =	sadd.s32 $0xFFFFFFFF, s31;
	[sflag:s4] =	ssyncset.done $0x0  }
.LBB2_1:
0x20: {  	p0 =	sne.s32 s13, $0x1;
	s13 =	sadd.s32 $0xFFFFFFFF, s13;
	[sflag:s4] =	ssyncadd.s32 $0xFFFFF700  }
0x21: {  	[tilespmem:s3], [sflag:$0x2] =	stream.linear.gather [hbm4b:s5+s3], $0x48, $0x38;
	[tilespmem:$0x1290] =	vst v63  }
0x22: {  	_ =	swait.ge [sflag:s4], $0x48  }
0x23: {  	[sflag:s4] =	ssyncset.done $0x0  }
0x24: {  	[sflag:s4] =	ssyncadd.s32 $0xFFFFFFB8  }
0x25: {  	[tilespmem:s7], [sflag:$0x2] =	stream.linear.gather [hbm4b:s6+s3], $0x48, $0x38;
	[tilespmem:$0x1290] =	vst v63  }
0x26: {  	_ =	swait.ge [sflag:s4], $0x48  }
0x27: {  	[sflag:s4] =	ssyncset.done $0x0  }
0x28: {  	[sflag:s4] =	ssyncadd.s32 $0xFFFFFFB8  }
0x29: {  	[tilespmem:s8], [sflag:$0x1] =	stream.indirect.gather [hbm4b:s2+s7], $0x20, s3, s7, $0xb8;
	[tilespmem:$0x1290] =	vst v63  }
0x2a: {  	_ = 	snop  }
0x2b: {  	[tilespmem:s9], [sflag:$0x1] =	stream.indirect.gather [hbm4b:s2+s7], $0x20, s7, s7, $0xb8;
	[tilespmem:$0x1290] =	vst v63  }
0x2c: {  	_ =	swait.ge [sflag:s10], $0x900  }
0x2d: {  	[sflag:s10] =	ssyncset.done $0x0  }
0x2e: {  	[sflag:s10] =	ssyncadd.s32 $0xFFFFF700  }
0x2f: {  	_ =	swait.ge [sflag:s10], $0x900  }
0x30: {  	[sflag:s10] =	ssyncset.done $0x0  }
0x31: {  	[sflag:s10] =	ssyncadd.s32 $0xFFFFF700  }
0x32: {  	[hbm4b:s11+s3] =	stream.linear.scatter [tilespmem:s8], [sflag:$0x2], $0x900, $0x38;
	[tilespmem:$0x1290] =	vst v63  }
0x33: {  	_ =	swait.ge [sflag:s4], $0x900  }
.Ltmp1:
0x34: {  	[sflag:s4] =	ssyncset.done $0x0;
	(pc) =	sbr.rel @p0 .LBB2_1-.Ltmp1, $4  }
0x35: {  	[sflag:s4] =	ssyncadd.s32 $0xFFFFF700  }
0x36: {  	[hbm4b:s12+s3] =	stream.linear.scatter [tilespmem:s9], [sflag:$0x2], $0x900, $0x38;
	[tilespmem:$0x1290] =	vst v63  }
0x37: {  	_ =	swait.ge [sflag:s4], $0x900  }
0x38: {  	[sflag:s4] =	ssyncset.done $0x0  }
.LBB2_2:
0x39: {  	[sflag:s4] =	ssyncadd.s32 $0xFFFFF700  }
0x3a: {  	_ =	sfence.sel $0x180000  }
0x3b: {  	[bflag:$0x0] =	sbarrier.arrive $0xFFFF  }
0x3c: {  	p0 =	sne.s32 s0, $0x0;
	_ =	strace $0x90000047  }
0x3d: {  	s0 =	sadd.s32 @!p0 $0x100000, s1;
	[bflag:$0x2] =	sbarrier.arrive $0xFFFF  }
0x3e: {  	[sflag:s0] =	ssyncadd.tile.s32 @!p0 $0x1;
	_ =	shalt  }
.Lfunc_end2:
_tile_overlayer_lowered:
.L_overlay_start_2:
0x3f: {  	(tag) =	ssettag $0x2  }
0x40: {  	s0 =	rddreg [dreg:$0x0];
	s2 =	stileid.u32  }
0x41: {  	s1 =	rddreg [dreg:$0x1];
	p0 =	sne.s32 s2, $0x0  }
0x42: {  	s3 =	rddreg [dreg:$0x2];
	[bflag:$0x3] =	sbarrier.arrive $0xFFFF;
	s2 =	simm.s32 @!p0 $0x1C02  }
0x43: {  	[timem:s3], [sflag:s2] =	dma.local @!p0 [hbm:s0], s1  }
0x44: {  	s0 =	simm.s32 @!p0 $0x2  }
0x45: {  	_ =	swait.ge @!p0 [sflag:s0], s1  }
0x46: {  	s1 =	ssub.s32 @!p0 $0x0, s1;
	[sflag:s0] =	ssyncset.done @!p0 $0x0  }
0x47: {  	[sflag:s0] =	ssyncadd.s32 @!p0 s1  }
0x48: {  	[bflag:$0x3] =	sbarrier.arrive $0xFFFF  }
0x49: {  	_ =	shalt  }

</sc_bundles>
